<compile_context>
chip_gen: v7x
topology: tpu7x:2x2x1
jax: 0.10.2.dev20260603
libtpu: 0.0.44.dev20260713+nightly
codegen_flags: <defaults>
</compile_context>

<pallas_src>
import jax
import jax.numpy as jnp
from jax.experimental import pallas as pl
from jax.experimental.pallas import tpu as pltpu

M, W, ICH, ICHV, N = 4096, 32, 3, 3, 65536

Bp = 512
MW = 16
NB = N // Bp
NWIN = M // MW
S = NB + NWIN


def _mlp_body(pb_ref, mwi_ref, first_ref, mwv_ref,
              ids_ref, x_ref, w0_ref, w1_ref, wfs_ref, vw_ref, rw_ref,
              out_ref):
    s = pl.program_id(0)
    w_val = mwv_ref[s]
    is_first = first_ref[s]

    ids = ids_ref[0, 0, :]
    local = ids - w_val * MW

    pts = x_ref[0:ICH, :].astype(jnp.bfloat16)
    views = x_ref[ICH:ICH + ICHV, :].astype(jnp.bfloat16)
    one_row = jnp.ones((MW, 1, Bp), jnp.bfloat16)

    bdims = (((2,), (1,)), ((0,), (0,)))

    def bdot(w, h):
        return jax.lax.dot_general(w, h, bdims,
                                   preferred_element_type=jnp.float32)

    h = jnp.concatenate(
        [jnp.broadcast_to(pts[None], (MW, ICH, Bp)), one_row], axis=1)
    h = jnp.maximum(bdot(w0_ref[...], h), 0.0)
    h = jnp.concatenate([h.astype(jnp.bfloat16), one_row], axis=1)
    h = jnp.maximum(bdot(w1_ref[...], h), 0.0)
    h = jnp.concatenate([h.astype(jnp.bfloat16), one_row], axis=1)
    y = bdot(wfs_ref[...], h)
    feat = y[:, 0:W, :]
    sigma = y[:, W:W + 1, :]
    h2 = jnp.concatenate(
        [feat.astype(jnp.bfloat16),
         jnp.broadcast_to(views[None], (MW, ICHV, Bp)), one_row],
        axis=1)
    h3 = jnp.maximum(bdot(vw_ref[...], h2), 0.0)
    h3 = jnp.concatenate([h3.astype(jnp.bfloat16), one_row], axis=1)
    rgb = bdot(rw_ref[...], h3)

    rgbsig = jnp.concatenate([rgb, sigma], axis=1)

    m_iota = jax.lax.broadcasted_iota(jnp.int32, (MW, Bp), 0)
    onehot = (m_iota == local[None, :]).astype(jnp.float32)
    contrib = jnp.sum(rgbsig * onehot[:, None, :], axis=0)

    prev = jnp.where(is_first == 1, 0.0, out_ref[...])
    out_ref[...] = prev + contrib


def kernel(x, model_indices, pts_w0, pts_b0, pts_w1, pts_b1, feature_w,
           feature_b, sigma_w, sigma_b, view_w, view_b, rgb_w, rgb_b):
    ids = model_indices.astype(jnp.int32)
    perm = jnp.argsort(ids)
    sid = ids[perm]
    xs_t = x[perm].T

    w_lo = sid[::Bp] // MW
    w_hi = sid[Bp - 1::Bp] // MW
    span = w_hi - w_lo + 1
    starts = jnp.concatenate(
        [jnp.zeros((1,), jnp.int32), jnp.cumsum(span).astype(jnp.int32)])
    total = starts[NB]
    s_iota = jnp.arange(S, dtype=jnp.int32)
    k = jnp.clip(jnp.searchsorted(starts, s_iota, side='right') - 1, 0, NB - 1)
    k = k.astype(jnp.int32)
    w = w_lo[k] + (s_iota - starts[k])
    valid = s_iota < total
    pb = jnp.where(valid, k, NB - 1).astype(jnp.int32)
    mwi = jnp.where(valid, w, w_hi[NB - 1]).astype(jnp.int32)
    mwv = jnp.where(valid, w, NWIN).astype(jnp.int32)
    first = (valid & (s_iota == starts[k])).astype(jnp.int32)

    ids3 = sid.reshape(NB, 1, Bp)
    w0p = jnp.concatenate([pts_w0, pts_b0[:, :, None]], axis=2)
    w1p = jnp.concatenate([pts_w1, pts_b1[:, :, None]], axis=2)
    wfsp = jnp.concatenate([
        jnp.concatenate([feature_w, feature_b[:, :, None]], axis=2),
        jnp.concatenate([sigma_w, sigma_b[:, :, None]], axis=2),
    ], axis=1)
    vwp = jnp.concatenate([view_w, view_b[:, :, None]], axis=2)
    rwp = jnp.concatenate([rgb_w, rgb_b[:, :, None]], axis=2)
    w0p, w1p, wfsp, vwp, rwp = (t.astype(jnp.bfloat16)
                                for t in (w0p, w1p, wfsp, vwp, rwp))

    grid_spec = pltpu.PrefetchScalarGridSpec(
        num_scalar_prefetch=4,
        grid=(S,),
        in_specs=[
            pl.BlockSpec((1, 1, Bp), lambda s, pb, mwi, fst, mwv: (pb[s], 0, 0)),
            pl.BlockSpec((ICH + ICHV, Bp), lambda s, pb, mwi, fst, mwv: (0, pb[s])),
            pl.BlockSpec((MW, W, ICH + 1), lambda s, pb, mwi, fst, mwv: (mwi[s], 0, 0)),
            pl.BlockSpec((MW, W, W + 1), lambda s, pb, mwi, fst, mwv: (mwi[s], 0, 0)),
            pl.BlockSpec((MW, W + 1, W + 1), lambda s, pb, mwi, fst, mwv: (mwi[s], 0, 0)),
            pl.BlockSpec((MW, W, W + ICHV + 1), lambda s, pb, mwi, fst, mwv: (mwi[s], 0, 0)),
            pl.BlockSpec((MW, 3, W + 1), lambda s, pb, mwi, fst, mwv: (mwi[s], 0, 0)),
        ],
        out_specs=pl.BlockSpec((4, Bp), lambda s, pb, mwi, fst, mwv: (0, pb[s])),
    )

    out_t = pl.pallas_call(
        _mlp_body,
        grid_spec=grid_spec,
        out_shape=jax.ShapeDtypeStruct((4, N), jnp.float32),
    )(pb, mwi, first, mwv, ids3, xs_t, w0p, w1p, wfsp, vwp, rwp)

    return jnp.zeros((N, 4), jnp.float32).at[perm].set(
        out_t.T, unique_indices=True)

# --- scband reference (transcript-rebuilt; emitter-appended) ---
"""Pipeline reference for scband-batched-kilo-ne-rf-1039382086436 (READ-ONLY COPY).

The authoritative reference and input builder live on the scoring server;
editing this copy changes nothing except your own understanding.
"""

import jax, jax.numpy as jnp
import numpy as np

M, W, ICH, ICHV, N = 4096, 32, 3, 3, 65536

def setup_inputs(seed: int = 0):
    key = jax.random.key(seed)
    ks = jax.random.split(key, 16)
    def p(k, shape, fan_in):
        bound = float(np.sqrt(1.0 / fan_in))
        return jax.random.uniform(k, shape, minval=-bound, maxval=bound, dtype=jnp.float32)
    inp = {}
    inp['x'] = jax.random.normal(ks[0], (N, ICH + ICHV), dtype=jnp.float32)
    inp['model_indices'] = jax.random.randint(ks[1], (N,), 0, M)
    inp['pts_w0'] = p(ks[2], (M, W, ICH), ICH)
    inp['pts_b0'] = p(ks[3], (M, W), ICH)
    inp['pts_w1'] = p(ks[4], (M, W, W), W)
    inp['pts_b1'] = p(ks[5], (M, W), W)
    inp['feature_w'] = p(ks[6], (M, W, W), W)
    inp['feature_b'] = p(ks[7], (M, W), W)
    inp['sigma_w'] = p(ks[8], (M, 1, W), W)
    inp['sigma_b'] = p(ks[9], (M, 1), W)
    inp['view_w'] = p(ks[10], (M, W, W + ICHV), W + ICHV)
    inp['view_b'] = p(ks[11], (M, W), W + ICHV)
    inp['rgb_w'] = p(ks[12], (M, 3, W), W)
    inp['rgb_b'] = p(ks[13], (M, 3), W)
    return inp

def reference(x, model_indices, pts_w0, pts_b0, pts_w1, pts_b1, feature_w, feature_b, sigma_w, sigma_b, view_w, view_b, rgb_w, rgb_b):
    input_pts = x[:, :ICH]
    input_views = x[:, ICH:ICH + ICHV]
    h = input_pts
    for w_all, b_all in ((pts_w0, pts_b0), (pts_w1, pts_b1)):
        w = jnp.take(w_all, model_indices, axis=0)
        b = jnp.take(b_all, model_indices, axis=0)
        h = jnp.einsum('ni,noi->no', h, w) + b
        h = jax.nn.relu(h)
    w_s = jnp.take(sigma_w, model_indices, axis=0)
    b_s = jnp.take(sigma_b, model_indices, axis=0)
    sigma = jnp.einsum('ni,noi->no', h, w_s) + b_s
    w_f = jnp.take(feature_w, model_indices, axis=0)
    b_f = jnp.take(feature_b, model_indices, axis=0)
    feature = jnp.einsum('ni,noi->no', h, w_f) + b_f
    h = jnp.concatenate([feature, input_views], axis=-1)
    w_v = jnp.take(view_w, model_indices, axis=0)
    b_v = jnp.take(view_b, model_indices, axis=0)
    h = jax.nn.relu(jnp.einsum('ni,noi->no', h, w_v) + b_v)
    w_r = jnp.take(rgb_w, model_indices, axis=0)
    b_r = jnp.take(rgb_b, model_indices, axis=0)
    rgb = jnp.einsum('ni,noi->no', h, w_r) + b_r
    return jnp.concatenate([rgb, sigma], axis=-1)

if __name__ == "__main__":
    import jax
    _d = setup_inputs()
    print(jax.jit(kernel)(*tuple(_d.values())))

</pallas_src>

<mosaic_0001>
module attributes {stable_mosaic.version = 14 : i64} {
  func.func @_mlp_body(%arg0: i32, %arg1: memref<384xi32, #tpu.memory_space<smem>>, %arg2: memref<384xi32, #tpu.memory_space<smem>>, %arg3: memref<384xi32, #tpu.memory_space<smem>>, %arg4: memref<384xi32, #tpu.memory_space<smem>>, %arg5: memref<1x1x512xi32, #tpu.memory_space<vmem>>, %arg6: memref<6x512xf32, #tpu.memory_space<vmem>>, %arg7: memref<16x32x4xbf16, #tpu.memory_space<vmem>>, %arg8: memref<16x32x33xbf16, #tpu.memory_space<vmem>>, %arg9: memref<16x33x33xbf16, #tpu.memory_space<vmem>>, %arg10: memref<16x32x36xbf16, #tpu.memory_space<vmem>>, %arg11: memref<16x3x33xbf16, #tpu.memory_space<vmem>>, %arg12: memref<4x512xf32, #tpu.memory_space<vmem>>) attributes {dimension_semantics = [#tpu.dimension_semantics<arbitrary>], iteration_bounds = array<i64: 384>, scalar_prefetch = 4 : i64, scratch_operands = 0 : i64, tpu.core_type = #tpu.core_type<tc>, window_params = [{transform_indices = @transform_0, window_bounds = array<i64: 1, 1, 512>}, {transform_indices = @transform_1, window_bounds = array<i64: 6, 512>}, {transform_indices = @transform_2, window_bounds = array<i64: 16, 32, 4>}, {transform_indices = @transform_3, window_bounds = array<i64: 16, 32, 33>}, {transform_indices = @transform_4, window_bounds = array<i64: 16, 33, 33>}, {transform_indices = @transform_5, window_bounds = array<i64: 16, 32, 36>}, {transform_indices = @transform_6, window_bounds = array<i64: 16, 3, 33>}, {transform_indices = @transform_7, window_bounds = array<i64: 4, 512>}]} {
    %get3A = arith.index_cast %arg0 : i32 to index
    %get3A_0 = memref.load %arg4[%get3A] : memref<384xi32, #tpu.memory_space<smem>>
    %get3A_1 = arith.index_cast %arg0 : i32 to index
    %get3A_2 = memref.load %arg3[%get3A_1] : memref<384xi32, #tpu.memory_space<smem>>
    %get3A_3 = arith.constant 0 : index
    %get3A_4 = arith.constant 0 : index
    %get3A_5 = arith.constant 0 : index
    %get3A_6 = vector.load %arg5[%get3A_3, %get3A_4, %get3A_5] : memref<1x1x512xi32, #tpu.memory_space<vmem>>, vector<1x1x512xi32>
    %get3A_7 = vector.shape_cast %get3A_6 : vector<1x1x512xi32> to vector<512xi32>
    %mul3A = arith.constant 16 : i32
    %mul3A_8 = arith.muli %get3A_0, %mul3A : i32
    %sub3A = vector.broadcast %mul3A_8 : i32 to vector<512xi32>
    %sub3A_9 = arith.subi %get3A_7, %sub3A : vector<512xi32>
    %get3A_10 = arith.constant 0 : index
    %get3A_11 = arith.constant 0 : index
    %get3A_12 = vector.load %arg6[%get3A_10, %get3A_11] : memref<6x512xf32, #tpu.memory_space<vmem>>, vector<3x512xf32>
    %convert_element_type3A = arith.truncf %get3A_12 : vector<3x512xf32> to vector<3x512xbf16>
    %get3A_13 = arith.constant 3 : index
    %get3A_14 = arith.constant 0 : index
    %get3A_15 = vector.load %arg6[%get3A_13, %get3A_14] : memref<6x512xf32, #tpu.memory_space<vmem>>, vector<3x512xf32>
    %convert_element_type3A_16 = arith.truncf %get3A_15 : vector<3x512xf32> to vector<3x512xbf16>
    %broadcast_in_dim3A = arith.constant 1.000000e+00 : bf16
    %broadcast_in_dim3A_17 = vector.broadcast %broadcast_in_dim3A : bf16 to vector<16x1x512xbf16>
    %broadcast_in_dim3A_18 = vector.shape_cast %convert_element_type3A : vector<3x512xbf16> to vector<1x3x512xbf16>
    %broadcast_in_dim3A_19 = vector.shape_cast %broadcast_in_dim3A_18 : vector<1x3x512xbf16> to vector<1x3x512xbf16>
    %broadcast_in_dim3A_20 = vector.broadcast %broadcast_in_dim3A_19 : vector<1x3x512xbf16> to vector<16x3x512xbf16>
    %concatenate3A = tpu.concatenate %broadcast_in_dim3A_20, %broadcast_in_dim3A_17 in 1 : vector<16x3x512xbf16>, vector<16x1x512xbf16> -> vector<16x4x512xbf16>
    %get3A_21 = arith.constant 0 : index
    %get3A_22 = arith.constant 0 : index
    %get3A_23 = arith.constant 0 : index
    %get3A_24 = vector.load %arg7[%get3A_21, %get3A_22, %get3A_23] : memref<16x32x4xbf16, #tpu.memory_space<vmem>>, vector<16x32x4xbf16>
    %dot_general3A = arith.constant dense<0.000000e+00> : vector<16x32x512xf32>
    %dot_general3A_25 = tpu.matmul %get3A_24, %concatenate3A, %dot_general3A {dimension_numbers = #tpu.dot_dimension_numbers<[2], [1], [1], [2], [0, 0, 0, 1, 1, 2], [0], [0]>, transpose_lhs_hint = false} : vector<16x32x4xbf16>, vector<16x4x512xbf16>, vector<16x32x512xf32> -> vector<16x32x512xf32>
    %max3A = arith.constant 0.000000e+00 : f32
    %max3A_26 = vector.broadcast %max3A : f32 to vector<16x32x512xf32>
    %max3A_27 = arith.maximumf %dot_general3A_25, %max3A_26 : vector<16x32x512xf32>
    %convert_element_type3A_28 = arith.truncf %max3A_27 : vector<16x32x512xf32> to vector<16x32x512xbf16>
    %concatenate3A_29 = tpu.concatenate %convert_element_type3A_28, %broadcast_in_dim3A_17 in 1 : vector<16x32x512xbf16>, vector<16x1x512xbf16> -> vector<16x33x512xbf16>
    %get3A_30 = arith.constant 0 : index
    %get3A_31 = arith.constant 0 : index
    %get3A_32 = arith.constant 0 : index
    %get3A_33 = vector.load %arg8[%get3A_30, %get3A_31, %get3A_32] : memref<16x32x33xbf16, #tpu.memory_space<vmem>>, vector<16x32x33xbf16>
    %dot_general3A_34 = arith.constant dense<0.000000e+00> : vector<16x32x512xf32>
    %dot_general3A_35 = tpu.matmul %get3A_33, %concatenate3A_29, %dot_general3A_34 {dimension_numbers = #tpu.dot_dimension_numbers<[2], [1], [1], [2], [0, 0, 0, 1, 1, 2], [0], [0]>, transpose_lhs_hint = false} : vector<16x32x33xbf16>, vector<16x33x512xbf16>, vector<16x32x512xf32> -> vector<16x32x512xf32>
    %max3A_36 = arith.constant 0.000000e+00 : f32
    %max3A_37 = vector.broadcast %max3A_36 : f32 to vector<16x32x512xf32>
    %max3A_38 = arith.maximumf %dot_general3A_35, %max3A_37 : vector<16x32x512xf32>
    %convert_element_type3A_39 = arith.truncf %max3A_38 : vector<16x32x512xf32> to vector<16x32x512xbf16>
    %concatenate3A_40 = tpu.concatenate %convert_element_type3A_39, %broadcast_in_dim3A_17 in 1 : vector<16x32x512xbf16>, vector<16x1x512xbf16> -> vector<16x33x512xbf16>
    %get3A_41 = arith.constant 0 : index
    %get3A_42 = arith.constant 0 : index
    %get3A_43 = arith.constant 0 : index
    %get3A_44 = vector.load %arg9[%get3A_41, %get3A_42, %get3A_43] : memref<16x33x33xbf16, #tpu.memory_space<vmem>>, vector<16x33x33xbf16>
    %dot_general3A_45 = arith.constant dense<0.000000e+00> : vector<16x33x512xf32>
    %dot_general3A_46 = tpu.matmul %get3A_44, %concatenate3A_40, %dot_general3A_45 {dimension_numbers = #tpu.dot_dimension_numbers<[2], [1], [1], [2], [0, 0, 0, 1, 1, 2], [0], [0]>, transpose_lhs_hint = false} : vector<16x33x33xbf16>, vector<16x33x512xbf16>, vector<16x33x512xf32> -> vector<16x33x512xf32>
    %slice3A = vector.extract_strided_slice %dot_general3A_46 {offsets = [0, 0, 0], sizes = [16, 32, 512], strides = [1, 1, 1]} : vector<16x33x512xf32> to vector<16x32x512xf32>
    %slice3A_47 = vector.extract_strided_slice %dot_general3A_46 {offsets = [0, 32, 0], sizes = [16, 1, 512], strides = [1, 1, 1]} : vector<16x33x512xf32> to vector<16x1x512xf32>
    %convert_element_type3A_48 = arith.truncf %slice3A : vector<16x32x512xf32> to vector<16x32x512xbf16>
    %broadcast_in_dim3A_49 = vector.shape_cast %convert_element_type3A_16 : vector<3x512xbf16> to vector<1x3x512xbf16>
    %broadcast_in_dim3A_50 = vector.shape_cast %broadcast_in_dim3A_49 : vector<1x3x512xbf16> to vector<1x3x512xbf16>
    %broadcast_in_dim3A_51 = vector.broadcast %broadcast_in_dim3A_50 : vector<1x3x512xbf16> to vector<16x3x512xbf16>
    %concatenate3A_52 = tpu.concatenate %convert_element_type3A_48, %broadcast_in_dim3A_51, %broadcast_in_dim3A_17 in 1 : vector<16x32x512xbf16>, vector<16x3x512xbf16>, vector<16x1x512xbf16> -> vector<16x36x512xbf16>
    %get3A_53 = arith.constant 0 : index
    %get3A_54 = arith.constant 0 : index
    %get3A_55 = arith.constant 0 : index
    %get3A_56 = vector.load %arg10[%get3A_53, %get3A_54, %get3A_55] : memref<16x32x36xbf16, #tpu.memory_space<vmem>>, vector<16x32x36xbf16>
    %dot_general3A_57 = arith.constant dense<0.000000e+00> : vector<16x32x512xf32>
    %dot_general3A_58 = tpu.matmul %get3A_56, %concatenate3A_52, %dot_general3A_57 {dimension_numbers = #tpu.dot_dimension_numbers<[2], [1], [1], [2], [0, 0, 0, 1, 1, 2], [0], [0]>, transpose_lhs_hint = false} : vector<16x32x36xbf16>, vector<16x36x512xbf16>, vector<16x32x512xf32> -> vector<16x32x512xf32>
    %max3A_59 = arith.constant 0.000000e+00 : f32
    %max3A_60 = vector.broadcast %max3A_59 : f32 to vector<16x32x512xf32>
    %max3A_61 = arith.maximumf %dot_general3A_58, %max3A_60 : vector<16x32x512xf32>
    %convert_element_type3A_62 = arith.truncf %max3A_61 : vector<16x32x512xf32> to vector<16x32x512xbf16>
    %concatenate3A_63 = tpu.concatenate %convert_element_type3A_62, %broadcast_in_dim3A_17 in 1 : vector<16x32x512xbf16>, vector<16x1x512xbf16> -> vector<16x33x512xbf16>
    %get3A_64 = arith.constant 0 : index
    %get3A_65 = arith.constant 0 : index
    %get3A_66 = arith.constant 0 : index
    %get3A_67 = vector.load %arg11[%get3A_64, %get3A_65, %get3A_66] : memref<16x3x33xbf16, #tpu.memory_space<vmem>>, vector<16x3x33xbf16>
    %dot_general3A_68 = arith.constant dense<0.000000e+00> : vector<16x3x512xf32>
    %dot_general3A_69 = tpu.matmul %get3A_67, %concatenate3A_63, %dot_general3A_68 {dimension_numbers = #tpu.dot_dimension_numbers<[2], [1], [1], [2], [0, 0, 0, 1, 1, 2], [0], [0]>, transpose_lhs_hint = false} : vector<16x3x33xbf16>, vector<16x33x512xbf16>, vector<16x3x512xf32> -> vector<16x3x512xf32>
    %concatenate3A_70 = tpu.concatenate %dot_general3A_69, %slice3A_47 in 1 : vector<16x3x512xf32>, vector<16x1x512xf32> -> vector<16x4x512xf32>
    %iota3A = tpu.iota {dimensions = array<i32: 0>} : vector<16x512xi32>
    %broadcast_in_dim3A_71 = vector.shape_cast %sub3A_9 : vector<512xi32> to vector<1x512xi32>
    %eq3A = vector.broadcast %broadcast_in_dim3A_71 : vector<1x512xi32> to vector<16x512xi32>
    %eq3A_72 = arith.cmpi eq, %iota3A, %eq3A : vector<16x512xi32>
    %convert_element_type3A_73 = arith.extui %eq3A_72 : vector<16x512xi1> to vector<16x512xi32>
    %convert_element_type3A_74 = arith.sitofp %convert_element_type3A_73 : vector<16x512xi32> to vector<16x512xf32>
    %broadcast_in_dim3A_75 = vector.shape_cast %convert_element_type3A_74 : vector<16x512xf32> to vector<16x1x512xf32>
    %mul3A_76 = vector.broadcast %broadcast_in_dim3A_75 : vector<16x1x512xf32> to vector<16x4x512xf32>
    %mul3A_77 = arith.mulf %concatenate3A_70, %mul3A_76 : vector<16x4x512xf32>
    %reduce_sum3A = arith.constant dense<0.000000e+00> : vector<4x512xf32>
    %reduce_sum3A_78 = vector.multi_reduction <add>, %mul3A_77, %reduce_sum3A [0] : vector<16x4x512xf32> to vector<4x512xf32>
    %eq3A_79 = arith.constant 1 : i32
    %eq3A_80 = arith.cmpi eq, %get3A_2, %eq3A_79 : i32
    %get3A_81 = arith.constant 0 : index
    %get3A_82 = arith.constant 0 : index
    %get3A_83 = vector.load %arg12[%get3A_81, %get3A_82] : memref<4x512xf32, #tpu.memory_space<vmem>>, vector<4x512xf32>
    %jit3A = arith.constant 0.000000e+00 : f32
    %broadcast_in_dim3A_84 = vector.broadcast %jit3A : f32 to vector<4x512xf32>
    %select_n3A = arith.select %eq3A_80, %broadcast_in_dim3A_84, %get3A_83 : vector<4x512xf32>
    %add3A = arith.addf %select_n3A, %reduce_sum3A_78 : vector<4x512xf32>
    %swap3A = arith.constant 0 : index
    %swap3A_85 = arith.constant 0 : index
    %swap3A_86 = vector.load %arg12[%swap3A, %swap3A_85] : memref<4x512xf32, #tpu.memory_space<vmem>>, vector<4x512xf32>
    tpu.vector_store %arg12[%swap3A, %swap3A_85], %add3A {strides = array<i32>} : memref<4x512xf32, #tpu.memory_space<vmem>>, vector<4x512xf32>,
    return
  }
  func.func @transform_0(%arg0: i32, %arg1: memref<384xi32, #tpu.memory_space<smem>>, %arg2: memref<384xi32, #tpu.memory_space<smem>>, %arg3: memref<384xi32, #tpu.memory_space<smem>>, %arg4: memref<384xi32, #tpu.memory_space<smem>>) -> (i32, i32, i32) {
    %get3A = arith.index_cast %arg0 : i32 to index
    %get3A_0 = memref.load %arg1[%get3A] : memref<384xi32, #tpu.memory_space<smem>>
    %c0_i32 = arith.constant 0 : i32
    %c0_i32_1 = arith.constant 0 : i32
    %c0_i32_2 = arith.constant 0 : i32
    return %get3A_0, %c0_i32, %c0_i32_1 : i32, i32, i32
  }
  func.func @transform_1(%arg0: i32, %arg1: memref<384xi32, #tpu.memory_space<smem>>, %arg2: memref<384xi32, #tpu.memory_space<smem>>, %arg3: memref<384xi32, #tpu.memory_space<smem>>, %arg4: memref<384xi32, #tpu.memory_space<smem>>) -> (i32, i32) {
    %get3A = arith.index_cast %arg0 : i32 to index
    %get3A_0 = memref.load %arg1[%get3A] : memref<384xi32, #tpu.memory_space<smem>>
    %c0_i32 = arith.constant 0 : i32
    %c0_i32_1 = arith.constant 0 : i32
    return %c0_i32, %get3A_0 : i32, i32
  }
  func.func @transform_2(%arg0: i32, %arg1: memref<384xi32, #tpu.memory_space<smem>>, %arg2: memref<384xi32, #tpu.memory_space<smem>>, %arg3: memref<384xi32, #tpu.memory_space<smem>>, %arg4: memref<384xi32, #tpu.memory_space<smem>>) -> (i32, i32, i32) {
    %get3A = arith.index_cast %arg0 : i32 to index
    %get3A_0 = memref.load %arg2[%get3A] : memref<384xi32, #tpu.memory_space<smem>>
    %c0_i32 = arith.constant 0 : i32
    %c0_i32_1 = arith.constant 0 : i32
    %c0_i32_2 = arith.constant 0 : i32
    return %get3A_0, %c0_i32, %c0_i32_1 : i32, i32, i32
  }
  func.func @transform_3(%arg0: i32, %arg1: memref<384xi32, #tpu.memory_space<smem>>, %arg2: memref<384xi32, #tpu.memory_space<smem>>, %arg3: memref<384xi32, #tpu.memory_space<smem>>, %arg4: memref<384xi32, #tpu.memory_space<smem>>) -> (i32, i32, i32) {
    %get3A = arith.index_cast %arg0 : i32 to index
    %get3A_0 = memref.load %arg2[%get3A] : memref<384xi32, #tpu.memory_space<smem>>
    %c0_i32 = arith.constant 0 : i32
    %c0_i32_1 = arith.constant 0 : i32
    %c0_i32_2 = arith.constant 0 : i32
    return %get3A_0, %c0_i32, %c0_i32_1 : i32, i32, i32
  }
  func.func @transform_4(%arg0: i32, %arg1: memref<384xi32, #tpu.memory_space<smem>>, %arg2: memref<384xi32, #tpu.memory_space<smem>>, %arg3: memref<384xi32, #tpu.memory_space<smem>>, %arg4: memref<384xi32, #tpu.memory_space<smem>>) -> (i32, i32, i32) {
    %get3A = arith.index_cast %arg0 : i32 to index
    %get3A_0 = memref.load %arg2[%get3A] : memref<384xi32, #tpu.memory_space<smem>>
    %c0_i32 = arith.constant 0 : i32
    %c0_i32_1 = arith.constant 0 : i32
    %c0_i32_2 = arith.constant 0 : i32
    return %get3A_0, %c0_i32, %c0_i32_1 : i32, i32, i32
  }
  func.func @transform_5(%arg0: i32, %arg1: memref<384xi32, #tpu.memory_space<smem>>, %arg2: memref<384xi32, #tpu.memory_space<smem>>, %arg3: memref<384xi32, #tpu.memory_space<smem>>, %arg4: memref<384xi32, #tpu.memory_space<smem>>) -> (i32, i32, i32) {
    %get3A = arith.index_cast %arg0 : i32 to index
    %get3A_0 = memref.load %arg2[%get3A] : memref<384xi32, #tpu.memory_space<smem>>
    %c0_i32 = arith.constant 0 : i32
    %c0_i32_1 = arith.constant 0 : i32
    %c0_i32_2 = arith.constant 0 : i32
    return %get3A_0, %c0_i32, %c0_i32_1 : i32, i32, i32
  }
  func.func @transform_6(%arg0: i32, %arg1: memref<384xi32, #tpu.memory_space<smem>>, %arg2: memref<384xi32, #tpu.memory_space<smem>>, %arg3: memref<384xi32, #tpu.memory_space<smem>>, %arg4: memref<384xi32, #tpu.memory_space<smem>>) -> (i32, i32, i32) {
    %get3A = arith.index_cast %arg0 : i32 to index
    %get3A_0 = memref.load %arg2[%get3A] : memref<384xi32, #tpu.memory_space<smem>>
    %c0_i32 = arith.constant 0 : i32
    %c0_i32_1 = arith.constant 0 : i32
    %c0_i32_2 = arith.constant 0 : i32
    return %get3A_0, %c0_i32, %c0_i32_1 : i32, i32, i32
  }
  func.func @transform_7(%arg0: i32, %arg1: memref<384xi32, #tpu.memory_space<smem>>, %arg2: memref<384xi32, #tpu.memory_space<smem>>, %arg3: memref<384xi32, #tpu.memory_space<smem>>, %arg4: memref<384xi32, #tpu.memory_space<smem>>) -> (i32, i32) {
    %get3A = arith.index_cast %arg0 : i32 to index
    %get3A_0 = memref.load %arg1[%get3A] : memref<384xi32, #tpu.memory_space<smem>>
    %c0_i32 = arith.constant 0 : i32
    %c0_i32_1 = arith.constant 0 : i32
    return %c0_i32, %get3A_0 : i32, i32
  }
}

</mosaic_0001>

<sc_bundles>
// kernel: gather_offload_async_start.1
scs
__scs_entry_jumppad:
0x0: {  	(pc) =	sbr.rel $0x88, $3  }
0x1: {  	(tag) =	ssettag $0x0;
	lr =	simm.s32 $0x1  }
0x2: {  	[smem:$0x3F93] =	sst lr;
	_ =	strace $0xD0000000  }
0x3: {  	_ = 	snop  }
0x4: {  	_ = 	snop  }
0x5: {  	_ = 	snop  }
0x6: {  	_ = 	snop  }
0x7: {  	_ = 	snop  }
__scs_overlays_trampoline_lowered:
0x8: {  	[smem:$0x3FA2] =	sst s0  }
0x9: {  	[smem:$0x3FA3] =	sst s1  }
0xa: {  	[smem:$0x3FA4] =	sst s2  }
0xb: {  	[smem:$0x3FA5] =	sst s3  }
0xc: {  	[smem:$0x3FA6] =	sst s4  }
0xd: {  	[smem:$0x3FA7] =	sst s5  }
0xe: {  	[smem:$0x3FA8] =	sst s6  }
0xf: {  	[smem:$0x3FA9] =	sst s7  }
0x10: {  	[smem:$0x3FAA] =	sst s8  }
0x11: {  	[smem:$0x3FAB] =	sst s9;
	s0 =	simm.s32 @!p0 $0x0  }
0x12: {  	s1 =	sld [smem:$0x3F91];
	s0 =	simm.s32 @p0 $0x1  }
0x13: {  	[smem:$0x3FAC] =	sst s0;
	s0 =	simm.s32 @!p1 $0x0  }
0x14: {  	s2 =	sld [smem:$0x3F90];
	s0 =	simm.s32 @p1 $0x1  }
0x15: {  	[smem:$0x3FAD] =	sst s0;
	s0 =	simm.s32 @!p2 $0x0  }
0x16: {  	s3 =	sld [smem:$0x3FDB];
	s0 =	simm.s32 @p2 $0x1  }
0x17: {  	s4 =	simm.s32 $0x1BF5;
	[smem:$0x3FAF] =	sst s0  }
0x18: {  	s0 =	sld [smem:$0x3F92];
	_ =	swait.ge [sflag:s4], $0x0  }
0x19: {  	s7 =	sld [smem:$0x3F93]  }
0x1a: {  	s8 =	sadd.s32 $0xFFFFE003, lr  }
0x1b: {  	s9 =	sadd.s32 $0xFFFFFEF7, lr;
	s5 =	simm.s32 $0xFFFFFFFF;
	p2 =	slt.u32 s8, $0xFFFFF086  }
0x1c: {  	p1 =	slt.u32 s9, $0xF7A;
	s5 =	simm.s32 @!p2 $0x0  }
0x1d: {  	s5 =	simm.s32 @p1 $0x1;
	p0 =	seq.s32 s7, s2  }
0x1e: {  	s7 =	smul.u32 @!p0 $0xF7A, s2;
	p2 =	seq.s32 @!p0 s5, $0x0  }
0x1f: {  	s9 =	smul.u32 $0xF7A, s1;
	s8 =	simm.s32 @!p0 $0x1BF5;
	p2 =	por !p2, p0  }
0x20: {  	[sflag:s8] =	ssyncset.s32 @!p0 $0xFFFFF086;
	s6 =	sadd.s32 @!p0 s3, s7;
	s7 =	simm.s32 @!p0 $0x108  }
0x21: {  	s3 =	sadd.s32 s3, s9;
	s6 =	sadd.s32 @!p0 $0x88, s6;
	s7 =	simm.s32 @p2 $0x1082  }
0x22: {  	[simem:s7], [sflag:s8] =	dma.local @!p0 [hbm:s6], $0xF7A  }
0x23: {  	s9 =	sor.u32 $0xD0000000, s2;
	s6 =	simm.s32 $0x108;
	_ =	swait.ge @!p0 [sflag:s8], $0x0  }
0x24: {  	s3 =	sadd.s32 $0x88, s3;
	s6 =	simm.s32 @!p1 $0x1082;
	[sflag:s4] =	ssyncset.s32 $0xFFFFF086  }
0x25: {  	[simem:s6], [sflag:s4] =	dma.local [hbm:s3], $0xF7A  }
0x26: {  	[smem:$0x3F93] =	sst s1;
	(tag) =	ssettag s2;
	_ =	strace s9  }
0x27: {  	s1 =	sld [smem:$0x3FA3]  }
0x28: {  	s2 =	sld [smem:$0x3FA4]  }
0x29: {  	s4 =	sld [smem:$0x3FA6]  }
0x2a: {  	p0 =	seq.s32 s5, $0x0;
	s5 =	sld [smem:$0x3FA7]  }
0x2b: {  	s6 =	sld [smem:$0x3FA8]  }
0x2c: {  	s7 =	sld [smem:$0x3FA9]  }
0x2d: {  	s3 =	simm.s32 $0x108;
	s8 =	sld [smem:$0x3FAA]  }
0x2e: {  	s3 =	simm.s32 @!p0 $0x1082;
	s9 =	sld [smem:$0x3FAB]  }
0x2f: {  	lr =	sadd.s32 s0, s3;
	s0 =	sld [smem:$0x3FA2]  }
0x30: {  	s3 =	sld [smem:$0x3FA5]  }
0x31: {  	[smem:$0x3FAE] =	sst s10  }
0x32: {  	s10 =	sld [smem:$0x3FAC];
	_ =	sdelay $0x3  }
0x33: {  	p0 =	seq.s32 s10, $0x1;
	s10 =	sld [smem:$0x3FAE];
	_ =	sdelay $0x3  }
0x34: {  	[smem:$0x3FAE] =	sst s10  }
0x35: {  	s10 =	sld [smem:$0x3FAD];
	_ =	sdelay $0x3  }
0x36: {  	p1 =	seq.s32 s10, $0x1;
	s10 =	sld [smem:$0x3FAE];
	_ =	sdelay $0x3  }
0x37: {  	[smem:$0x3FAE] =	sst s10  }
0x38: {  	s10 =	sld [smem:$0x3FAF]  }
0x39: {  	_ = 	snop;
	(pc) =	sbr.ind lr, $3  }
0x3a: {  	_ = 	snop  }
0x3b: {  	_ = 	snop  }
0x3c: {  	p2 =	seq.s32 s10, $0x1;
	s10 =	sld [smem:$0x3FAE]  }
0x3d: {  	_ =	shalt  }
0x3e: {  	_ =	shalt  }
0x3f: {  	_ =	shalt  }
0x40: {  	_ =	shalt  }
0x41: {  	_ =	shalt  }
0x42: {  	_ =	shalt  }
0x43: {  	_ =	shalt  }
0x44: {  	_ =	shalt  }
0x45: {  	_ =	shalt  }
0x46: {  	_ =	shalt  }
0x47: {  	_ =	shalt  }
0x48: {  	_ =	shalt  }
0x49: {  	_ =	shalt  }
0x4a: {  	_ =	shalt  }
0x4b: {  	_ =	shalt  }
0x4c: {  	_ =	shalt  }
0x4d: {  	_ =	shalt  }
0x4e: {  	_ =	shalt  }
0x4f: {  	_ =	shalt  }
0x50: {  	_ =	shalt  }
0x51: {  	_ =	shalt  }
0x52: {  	_ =	shalt  }
0x53: {  	_ =	shalt  }
0x54: {  	_ =	shalt  }
0x55: {  	_ =	shalt  }
0x56: {  	_ =	shalt  }
0x57: {  	_ =	shalt  }
0x58: {  	_ =	shalt  }
0x59: {  	_ =	shalt  }
0x5a: {  	_ =	shalt  }
0x5b: {  	_ =	shalt  }
0x5c: {  	_ =	shalt  }
0x5d: {  	_ =	shalt  }
0x5e: {  	_ =	shalt  }
0x5f: {  	_ =	shalt  }
0x60: {  	_ =	shalt  }
0x61: {  	_ =	shalt  }
0x62: {  	_ =	shalt  }
0x63: {  	_ =	shalt  }
0x64: {  	_ =	shalt  }
0x65: {  	_ =	shalt  }
0x66: {  	_ =	shalt  }
0x67: {  	_ =	shalt  }
0x68: {  	_ =	shalt  }
0x69: {  	_ =	shalt  }
0x6a: {  	_ =	shalt  }
0x6b: {  	_ =	shalt  }
0x6c: {  	_ =	shalt  }
0x6d: {  	_ =	shalt  }
0x6e: {  	_ =	shalt  }
0x6f: {  	_ =	shalt  }
0x70: {  	_ =	shalt  }
0x71: {  	_ =	shalt  }
0x72: {  	_ =	shalt  }
0x73: {  	_ =	shalt  }
0x74: {  	_ =	shalt  }
0x75: {  	_ =	shalt  }
0x76: {  	_ =	shalt  }
0x77: {  	_ =	shalt  }
0x78: {  	_ =	shalt  }
0x79: {  	_ =	shalt  }
0x7a: {  	_ =	shalt  }
0x7b: {  	_ =	shalt  }
0x7c: {  	_ =	shalt  }
0x7d: {  	_ =	shalt  }
0x7e: {  	_ =	shalt  }
0x7f: {  	_ =	shalt  }
0x80: {  	_ =	shalt  }
0x81: {  	_ =	shalt  }
0x82: {  	_ =	shalt  }
0x83: {  	_ =	shalt  }
0x84: {  	_ =	shalt  }
0x85: {  	_ =	shalt  }
0x86: {  	_ =	shalt  }
0x87: {  	_ =	shalt  }
.Lfunc_end0:
.L_simem_size_0:
called_computation.1_lowered:
.L_overlay_start_0:
0x88: {  	s2 =	sld [smem:$0x3FD9]  }
0x89: {  	s3 =	sld [smem:$0x3FFE];
	_ =	sdelay $0x1  }
0x8a: {  	s1 =	srdreg.scid  }
0x8b: {  	s0 =	sand.u32 $0x1, s1  }
0x8c: {  	s17 =	sshll.u32 s0, $0xA;
	s2 =	sadd.s32 s3, s2  }
0x8d: {  	s2 =	sadd.s32 s2, s17  }
0x8e: {  	[smem:$0x3FBA] =	sst s2  }
0x8f: {  	_ = 	snop  }
0x90: {  	s2 =	sld [smem:$0x3FD0];
	(tm) =	ssettm $0x1  }
0x91: {  	s18 =	sld [smem:$0x3FFB];
	_ =	sdelay $0x3  }
0x92: {  	_ =	strace s18  }
0x93: {  	s3 =	sld [smem:$0x3FFC];
	_ =	sdelay $0x3  }
0x94: {  	_ =	strace s3  }
0x95: {  	s3 =	sld [smem:$0x3FFD];
	_ =	sdelay $0x3  }
0x96: {  	_ =	strace s3  }
0x97: {  	_ =	strace $0x8FFFFFFF  }
0x98: {  	s19 =	sld [smem:$0x3FDB];
	_ =	sdelay $0x1  }
0x99: {  	s4 =	simm.s32 $_scs_section_size  }
0x9a: {  	s5 =	simm.s32 $_size__tile_overlayer_lowered;
	s6 =	simm.s32 $_tile_overlayer_lowered  }
0x9b: {  	s22 =	simm.s32 $0x1BFF;
	s21 =	sshll.u32 s6, $0x1;
	s3 =	sadd.s32 s4, s19  }
0x9c: {  	s7 =	simm.s32 $0x0;
	s20 =	sshll.u32 s5, $0x1;
	s5 =	sadd.s32 s21, s3  }
0x9d: {  	[timem:s7], [sflag:s22] =	dma.local [hbm:s5], s20  }
0x9e: {  	_ =	swait.ge [sflag:s22], s20  }
0x9f: {  	s4 =	ssub.s32 $0x0, s20;
	[sflag:s22] =	ssyncset.done $0x0  }
0xa0: {  	[sflag:s22] =	ssyncadd.s32 s4;
	_ =	sdelay $0x1  }
0xa1: {  	s23 =	simm.s32 $0x1B8B  }
0xa2: {  	_ =	swait.ge [sflag:s23], $0x1  }
0xa3: {  	[sflag:s23] =	ssyncset.done $0x0  }
0xa4: {  	s25 =	simm.s32 $0x1B8E;
	s24 =	sld [smem:$0x3FFE];
	[sflag:s23] =	ssyncadd.s32 $0xFFFFFFFF  }
0xa5: {  	s26 =	simm.s32 $execute0_lowered;
	[smem:$0x3FD2] =	sst s25  }
0xa6: {  	s5 =	sshll.u32 s26, $0x1;
	_ =	strace $0x80000049;
	[dreg:$0x1] =	wrdreg $0xFFFFFFFF  }
0xa7: {  	s28 =	simm.s32 $_size_execute0_lowered;
	s3 =	sadd.s32 s3, s5;
	[dreg:$0x0] =	wrdreg $0x0  }
0xa8: {  	s5 =	sshll.u32 s28, $0x1;
	[dreg:$0x2] =	wrdreg s3  }
0xa9: {  	[dreg:$0x3] =	wrdreg s5  }
0xaa: {  	[dreg:$0x4] =	wrdreg $0xC0  }
0xab: {  	_ =	task [dreg:s7], $0x5FFFF  }
0xac: {  	[dreg:$0x1] =	wrdreg $0xFFFFFFFF  }
0xad: {  	[dreg:$0x0] =	wrdreg $0x60  }
0xae: {  	[dreg:$0x2] =	wrdreg s24  }
0xaf: {  	[dreg:$0x3] =	wrdreg s2  }
0xb0: {  	[dreg:$0x4] =	wrdreg $0x9  }
0xb1: {  	_ =	task.clear_ibuf [dreg:s7], $0x5FFFF;
	_ =	strace $0x90000049  }
0xb2: {  	s29 =	simm.s32 $0x9;
	_ =	strace $0x8000004B  }
0xb3: {  	_ =	swait.ge [sflag:s29], $0x1  }
0xb4: {  	[sflag:s29] =	ssyncadd.s32 $0xFFFFFFFF  }
0xb5: {  	_ =	strace $0x9000004B  }
0xb6: {  	_ =	sfence  }
0xb7: {  	s30 =	sld [smem:$0x0];
	_ =	sdelay $0x2  }
0xb8: {  	s31 =	sshll.u32 s1, $0xD;
	s1 =	sshrl.u32 s1, $0x2  }
0xb9: {  	s3 =	sand.u32 $0x4000, s31;
	s1 =	sadd.s32 s1, s30  }
0xba: {  	s0 =	sor.u32 s3, s0;
	s1 =	sshll.u32 s1, $0x11  }
0xbb: {  	s0 =	sor.u32 s1, s0  }
0xbc: {  	s0 =	sadd.s32 $0x8F2B, s0  }
0xbd: {  	[sflag:s0] =	ssyncadd.remote.s32 $0x1  }
0xbe: {  	_ =	sfence.sel $0xFFFF  }
0xbf: {  	[dreg:$0x0] =	wrdreg $0xFFFFFFFF;
	(pc) =	sbr.abs _section_cstart, $3  }
0xc0: {  	[dreg:$0x1] =	wrdreg $0xFFFFFFFF  }
0xc1: {  	_ =	task.clear_ibuf [dreg:s7], $0x2FFFF;
	_ =	strace $0x9FFFFFFF  }
0xc2: {  	(tm) =	ssettm $0x7FFFFFFF  }
0xc3: {  	_ =	shalt  }
tec
execute0_lowered:
.L_overlay_start_1:
0x0: {  	(tag) =	ssettag $0x1  }
0x1: {  	s7 =	rddreg [dreg:$0x0]  }
0x2: {  	s2 =	rddreg [dreg:$0x1]  }
0x3: {  	s0 =	rddreg [dreg:$0x2]  }
0x4: {  	s1 =	srdreg.scid;
	_ =	strace $0x8000004A;
	s4 =	simm.s32 $0x1  }
0x5: {  	s9 =	simm.s32 $0x3;
	s11 =	simm.s32 $0x0;
	s5 =	sshll.u32 s1, $0x4  }
.Ltmp0:
0x6: {  	s1 =	stileid.u32;
	s5 =	sand.u32 $0x10, s5;
	(pc) =	sbr.rel .LBB2_1-.Ltmp0, $4  }
0x7: {  	p0 =	por $0x0, $0x0;
	s3 =	sadd.s32 $0x4C00, s7;
	s6 =	sor.u32 s1, s5  }
0x8: {  	[sflag:s4] =	ssyncpa.u1 $0x0;
	s5 =	simm.s32 $0x2;
	s6 =	sshll.u32 s6, $0xB  }
0x9: {  	s7 =	sadd.s32 $0x688C00, s7;
	[sflag:s5] =	ssyncpa.u1 $0x0;
	s8 =	sadd.s32 $0x800, s6  }
0xa: {  	vm0 =	vmmov $0xff;
	vm1 =	vcmask $0x3F20;
	[sflag:s9] =	ssyncpa.u1 $0x0;
	s10 =	smov.u32 s6;
	s9 =	simm.s32 $0x0  }
.LBB2_7:
0xb: {  	p1 =	slt.u32 s9, $0x2;
	s11 =	sadd.s32 $0x100, s10  }
0xc: {  	s13 =	smov.u32 s6;
	s9 =	sadd.s32 $0x1, s9;
	p2 =	slt.s32 s11, s8  }
0xd: {  	s13 =	smov.u32 @p2 s11;
	p2 =	sne.s32 s9, $0xA  }
.Ltmp1:
0xe: {  	_ = 	snop;
	(pc) =	sbr.rel @!p2 .LBB2_8-.Ltmp1, $4  }
0xf: {  	s12 =	simm.s32 @!p1 $0x3  }
0x10: {  	_ =	swait.ge @!p1 [sflag:s12], $0x8000  }
0x11: {  	p0 =	por !p0, !p0;
	[sflag:s12] =	ssyncset.done @!p1 $0x0  }
0x12: {  	s11 =	smov.u32 s10;
	s10 =	smov.u32 s13;
	[sflag:s12] =	ssyncadd.s32 @!p1 $0xFFFF8000  }
.LBB2_1:
0x13: {  	p1 =	sgt.u32 s9, $0x7  }
0x14: {  	s12 =	sxor.u32 @!p1 $0xFFFFFFFF, s9  }
0x15: {  	s13 =	sshrl.u32 @!p1 s10, $0x3;
	s12 =	sshll.u32 @!p1 s12, $0x8  }
0x16: {  	s14 =	sand.u32 @!p1 $0x7, s10;
	s13 =	sadd.s32 @!p1 s2, s13;
	s12 =	sand.u32 @!p1 $0x100, s12  }
0x17: {  	[tilespmem:s12], [sflag:$0x2] =	stream.linear.gather @!p1 [hbm4b:s13+s14], $0x100, $0x38;
	[tilespmem:$0x10200] =	vst v63  }
0x18: {  	p1 =	seq.s32 s9, $0x0  }
0x19: {  	p2 =	seq.s32 @!p1 s9, $0x9  }
0x1a: {  	p1 =	por p1, p2  }
.Ltmp2:
0x1b: {  	_ = 	snop;
	(pc) =	sbr.rel @p1 .LBB2_7-.Ltmp2, $1  }
0x1c: {  	_ =	sdelay $0x3  }
0x1d: {  	s12 =	simm.s32 $0x1  }
0x1e: {  	_ =	swait.ge [sflag:s5], $0x100;
	s12 =	simm.s32 @!p0 $0x0  }
0x1f: {  	[sflag:s5] =	ssyncset.done $0x0;
	s14 =	sshll.u32 s12, $0x8  }
0x20: {  	[sflag:s5] =	ssyncadd.s32 $0xFFFFFF00;
	s13 =	sadd.s32 $0x0, s14  }
0x21: {  	v0 =	vld.msk [tilespmem:s13+$0x0 ss:$0x1], $0xffff;
	_ =	sdelay $0x4  }
0x22: {  	vm2 =	vgt.s32 v0, $0x0  }
0x23: {  	v0 =	vnsel vm2, $0x0, v0  }
0x24: {  	v0 =	vmin.u32 v0, $0xFFFF  }
0x25: {  	v0 =	vshll.u32 v0, $0x4;
	_ =	sdelay $0x2  }
0x26: {  	s12 =	sshll.u32 s12, $0xF  }
0x27: {  	s12 =	sor.u32 $0x200, s12  }
0x28: {  	[tilespmem:s12], [sflag:$0x1] =	stream.indirect_vreg.gather [hbm:s3], $0x80, v0, vm0, $0x38;
	[tilespmem:$0x10200] =	vst v63  }
0x29: {  	s15 =	sadd.s32 $0x10, s14;
	s13 =	sadd.s32 $0x400, s12  }
0x2a: {  	[tilespmem:s13], [sflag:$0x1] =	stream.indirect_vreg.gather [hbm:s3], $0x80, v0, vm1, $0x38;
	[tilespmem:$0x10200] =	vst v63  }
0x2b: {  	s16 =	simm.s32 $0x80;
	v0 =	vld.msk [tilespmem:s15+$0x0 ss:$0x1], $0xffff;
	s15 =	smov.u32 s12  }
.LBB2_3:
0x2c: {  	p1 =	sne.s32 s16, $0x3C0;
	_ =	sdelay $0x4  }
0x2d: {  	vm2 =	vgt.s32 v0, $0x0  }
0x2e: {  	v0 =	vnsel vm2, $0x0, v0  }
0x2f: {  	v0 =	vmin.u32 v0, $0xFFFF  }
0x30: {  	v0 =	vshll.u32 v0, $0x4;
	_ =	sdelay $0x3  }
.Ltmp3:
0x31: {  	s17 =	sshra.s32 s16, $0x2;
	s15 =	sadd.s32 $0x800, s15;
	(pc) =	sbr.rel @p1 .LBB2_3-.Ltmp3, $4  }
0x32: {  	[tilespmem:s15], [sflag:$0x1] =	stream.indirect_vreg.gather [hbm:s3], $0x80, v0, vm0, $0x38;
	[tilespmem:$0x10200] =	vst v63  }
0x33: {  	s17 =	sadd.s32 s17, s14;
	s18 =	sadd.s32 $0x400, s15  }
0x34: {  	[tilespmem:s18], [sflag:$0x1] =	stream.indirect_vreg.gather [hbm:s3], $0x80, v0, vm1, $0x38;
	[tilespmem:$0x10200] =	vst v63  }
0x35: {  	s16 =	sadd.s32 $0x40, s16;
	v0 =	vld.msk [tilespmem:s17+$0x0 ss:$0x1], $0xffff  }
0x36: {  	_ =	sdelay $0x3  }
0x37: {  	vm2 =	vgt.s32 v0, $0x0  }
0x38: {  	v0 =	vnsel vm2, $0x0, v0  }
0x39: {  	v0 =	vmin.u32 v0, $0xFFFF  }
0x3a: {  	v0 =	vshll.u32 v0, $0x4;
	_ =	sdelay $0x3  }
0x3b: {  	s14 =	sadd.s32 $0x800, s15  }
0x3c: {  	[tilespmem:s14], [sflag:$0x1] =	stream.indirect_vreg.gather [hbm:s3], $0x80, v0, vm0, $0x38;
	[tilespmem:$0x10200] =	vst v63  }
0x3d: {  	s14 =	sadd.s32 $0x400, s14  }
0x3e: {  	[tilespmem:s14], [sflag:$0x1] =	stream.indirect_vreg.gather [hbm:s3], $0x80, v0, vm1, $0x38;
	[tilespmem:$0x10200] =	vst v63  }
0x3f: {  	s11 =	sshll.u32 s11, $0x4;
	_ =	swait.ge [sflag:s4], $0x8000  }
0x40: {  	s11 =	sadd.s32 s11, s7;
	[sflag:s4] =	ssyncset.done $0x0  }
0x41: {  	s15 =	sadd.s32 $0x0, s11;
	s14 =	simm.s32 $0x80;
	[sflag:s4] =	ssyncadd.s32 $0xFFFF8000  }
.LBB2_5:
0x42: {  	[hbm:s15] =	stream.linear.scatter [tilespmem:s12], [sflag:$0x3], $0x400, $0x38;
	[tilespmem:$0x10200] =	vst v63  }
0x43: {  	s15 =	smov.u32 s14;
	s12 =	smov.u32 s13;
	p1 =	sne.s32 s14, $0xF80  }
.Ltmp4:
0x44: {  	s14 =	sadd.s32 $0x80, s14;
	(pc) =	sbr.rel @p1 .LBB2_5-.Ltmp4, $2  }
0x45: {  	_ =	sdelay $0x2  }
0x46: {  	s13 =	sadd.s32 $0x400, s13;
	s15 =	sadd.s32 s15, s11  }
.Ltmp5:
0x47: {  	(pc) =	sbr.rel .LBB2_7-.Ltmp5, $2  }
0x48: {  	_ =	sdelay $0x2  }
0x49: {  	[hbm:s15] =	stream.linear.scatter [tilespmem:s12], [sflag:$0x3], $0x400, $0x38;
	[tilespmem:$0x10200] =	vst v63  }
.LBB2_8:
0x4a: {  	_ =	sfence.sel $0x180000  }
0x4b: {  	s2 =	simm.s32 $0x2;
	[bflag:$0x0] =	sbarrier.arrive $0xFFFF  }
0x4c: {  	s30 =	simm.s32 $0x3;
	[sflag:s2] =	ssyncpa.u1 $0x1  }
0x4d: {  	s31 =	simm.s32 $0x1;
	[sflag:s30] =	ssyncpa.u1 $0x1  }
0x4e: {  	[sflag:s31] =	ssyncpa.u1 $0x1  }
0x4f: {  	p0 =	sne.s32 s1, $0x0;
	_ =	strace $0x9000004A  }
0x50: {  	s0 =	sadd.s32 @!p0 $0x100000, s0;
	[bflag:$0x2] =	sbarrier.arrive $0xFFFF  }
0x51: {  	[sflag:s0] =	ssyncadd.tile.s32 @!p0 $0x1;
	_ =	shalt  }
.Lfunc_end2:
_tile_overlayer_lowered:
.L_overlay_start_2:
0x52: {  	(tag) =	ssettag $0x2  }
0x53: {  	s0 =	rddreg [dreg:$0x0];
	s2 =	stileid.u32  }
0x54: {  	s1 =	rddreg [dreg:$0x1];
	p0 =	sne.s32 s2, $0x0  }
0x55: {  	s3 =	rddreg [dreg:$0x2];
	[bflag:$0x3] =	sbarrier.arrive $0xFFFF;
	s2 =	simm.s32 @!p0 $0x1C01  }
0x56: {  	[timem:s3], [sflag:s2] =	dma.local @!p0 [hbm:s0], s1  }
0x57: {  	s0 =	simm.s32 @!p0 $0x1  }
0x58: {  	_ =	swait.ge @!p0 [sflag:s0], s1  }
0x59: {  	s1 =	ssub.s32 @!p0 $0x0, s1;
	[sflag:s0] =	ssyncset.done @!p0 $0x0  }
0x5a: {  	[sflag:s0] =	ssyncadd.s32 @!p0 s1  }
0x5b: {  	[bflag:$0x3] =	sbarrier.arrive $0xFFFF  }
0x5c: {  	_ =	shalt  }

// kernel: gather_offload_async_start
scs
__scs_entry_jumppad:
0x0: {  	(pc) =	sbr.rel $0x88, $3  }
0x1: {  	(tag) =	ssettag $0x0;
	lr =	simm.s32 $0x1  }
0x2: {  	[smem:$0x3F93] =	sst lr;
	_ =	strace $0xD0000000  }
0x3: {  	_ = 	snop  }
0x4: {  	_ = 	snop  }
0x5: {  	_ = 	snop  }
0x6: {  	_ = 	snop  }
0x7: {  	_ = 	snop  }
__scs_overlays_trampoline_lowered:
0x8: {  	[smem:$0x3FA2] =	sst s0  }
0x9: {  	[smem:$0x3FA3] =	sst s1  }
0xa: {  	[smem:$0x3FA4] =	sst s2  }
0xb: {  	[smem:$0x3FA5] =	sst s3  }
0xc: {  	[smem:$0x3FA6] =	sst s4  }
0xd: {  	[smem:$0x3FA7] =	sst s5  }
0xe: {  	[smem:$0x3FA8] =	sst s6  }
0xf: {  	[smem:$0x3FA9] =	sst s7  }
0x10: {  	[smem:$0x3FAA] =	sst s8  }
0x11: {  	[smem:$0x3FAB] =	sst s9;
	s0 =	simm.s32 @!p0 $0x0  }
0x12: {  	s1 =	sld [smem:$0x3F91];
	s0 =	simm.s32 @p0 $0x1  }
0x13: {  	[smem:$0x3FAC] =	sst s0;
	s0 =	simm.s32 @!p1 $0x0  }
0x14: {  	s2 =	sld [smem:$0x3F90];
	s0 =	simm.s32 @p1 $0x1  }
0x15: {  	[smem:$0x3FAD] =	sst s0;
	s0 =	simm.s32 @!p2 $0x0  }
0x16: {  	s3 =	sld [smem:$0x3FDB];
	s0 =	simm.s32 @p2 $0x1  }
0x17: {  	s4 =	simm.s32 $0x1BF5;
	[smem:$0x3FAF] =	sst s0  }
0x18: {  	s0 =	sld [smem:$0x3F92];
	_ =	swait.ge [sflag:s4], $0x0  }
0x19: {  	s7 =	sld [smem:$0x3F93]  }
0x1a: {  	s8 =	sadd.s32 $0xFFFFE003, lr  }
0x1b: {  	s9 =	sadd.s32 $0xFFFFFEF7, lr;
	s5 =	simm.s32 $0xFFFFFFFF;
	p2 =	slt.u32 s8, $0xFFFFF086  }
0x1c: {  	p1 =	slt.u32 s9, $0xF7A;
	s5 =	simm.s32 @!p2 $0x0  }
0x1d: {  	s5 =	simm.s32 @p1 $0x1;
	p0 =	seq.s32 s7, s2  }
0x1e: {  	s7 =	smul.u32 @!p0 $0xF7A, s2;
	p2 =	seq.s32 @!p0 s5, $0x0  }
0x1f: {  	s9 =	smul.u32 $0xF7A, s1;
	s8 =	simm.s32 @!p0 $0x1BF5;
	p2 =	por !p2, p0  }
0x20: {  	[sflag:s8] =	ssyncset.s32 @!p0 $0xFFFFF086;
	s6 =	sadd.s32 @!p0 s3, s7;
	s7 =	simm.s32 @!p0 $0x108  }
0x21: {  	s3 =	sadd.s32 s3, s9;
	s6 =	sadd.s32 @!p0 $0x88, s6;
	s7 =	simm.s32 @p2 $0x1082  }
0x22: {  	[simem:s7], [sflag:s8] =	dma.local @!p0 [hbm:s6], $0xF7A  }
0x23: {  	s9 =	sor.u32 $0xD0000000, s2;
	s6 =	simm.s32 $0x108;
	_ =	swait.ge @!p0 [sflag:s8], $0x0  }
0x24: {  	s3 =	sadd.s32 $0x88, s3;
	s6 =	simm.s32 @!p1 $0x1082;
	[sflag:s4] =	ssyncset.s32 $0xFFFFF086  }
0x25: {  	[simem:s6], [sflag:s4] =	dma.local [hbm:s3], $0xF7A  }
0x26: {  	[smem:$0x3F93] =	sst s1;
	(tag) =	ssettag s2;
	_ =	strace s9  }
0x27: {  	s1 =	sld [smem:$0x3FA3]  }
0x28: {  	s2 =	sld [smem:$0x3FA4]  }
0x29: {  	s4 =	sld [smem:$0x3FA6]  }
0x2a: {  	p0 =	seq.s32 s5, $0x0;
	s5 =	sld [smem:$0x3FA7]  }
0x2b: {  	s6 =	sld [smem:$0x3FA8]  }
0x2c: {  	s7 =	sld [smem:$0x3FA9]  }
0x2d: {  	s3 =	simm.s32 $0x108;
	s8 =	sld [smem:$0x3FAA]  }
0x2e: {  	s3 =	simm.s32 @!p0 $0x1082;
	s9 =	sld [smem:$0x3FAB]  }
0x2f: {  	lr =	sadd.s32 s0, s3;
	s0 =	sld [smem:$0x3FA2]  }
0x30: {  	s3 =	sld [smem:$0x3FA5]  }
0x31: {  	[smem:$0x3FAE] =	sst s10  }
0x32: {  	s10 =	sld [smem:$0x3FAC];
	_ =	sdelay $0x3  }
0x33: {  	p0 =	seq.s32 s10, $0x1;
	s10 =	sld [smem:$0x3FAE];
	_ =	sdelay $0x3  }
0x34: {  	[smem:$0x3FAE] =	sst s10  }
0x35: {  	s10 =	sld [smem:$0x3FAD];
	_ =	sdelay $0x3  }
0x36: {  	p1 =	seq.s32 s10, $0x1;
	s10 =	sld [smem:$0x3FAE];
	_ =	sdelay $0x3  }
0x37: {  	[smem:$0x3FAE] =	sst s10  }
0x38: {  	s10 =	sld [smem:$0x3FAF]  }
0x39: {  	_ = 	snop;
	(pc) =	sbr.ind lr, $3  }
0x3a: {  	_ = 	snop  }
0x3b: {  	_ = 	snop  }
0x3c: {  	p2 =	seq.s32 s10, $0x1;
	s10 =	sld [smem:$0x3FAE]  }
0x3d: {  	_ =	shalt  }
0x3e: {  	_ =	shalt  }
0x3f: {  	_ =	shalt  }
0x40: {  	_ =	shalt  }
0x41: {  	_ =	shalt  }
0x42: {  	_ =	shalt  }
0x43: {  	_ =	shalt  }
0x44: {  	_ =	shalt  }
0x45: {  	_ =	shalt  }
0x46: {  	_ =	shalt  }
0x47: {  	_ =	shalt  }
0x48: {  	_ =	shalt  }
0x49: {  	_ =	shalt  }
0x4a: {  	_ =	shalt  }
0x4b: {  	_ =	shalt  }
0x4c: {  	_ =	shalt  }
0x4d: {  	_ =	shalt  }
0x4e: {  	_ =	shalt  }
0x4f: {  	_ =	shalt  }
0x50: {  	_ =	shalt  }
0x51: {  	_ =	shalt  }
0x52: {  	_ =	shalt  }
0x53: {  	_ =	shalt  }
0x54: {  	_ =	shalt  }
0x55: {  	_ =	shalt  }
0x56: {  	_ =	shalt  }
0x57: {  	_ =	shalt  }
0x58: {  	_ =	shalt  }
0x59: {  	_ =	shalt  }
0x5a: {  	_ =	shalt  }
0x5b: {  	_ =	shalt  }
0x5c: {  	_ =	shalt  }
0x5d: {  	_ =	shalt  }
0x5e: {  	_ =	shalt  }
0x5f: {  	_ =	shalt  }
0x60: {  	_ =	shalt  }
0x61: {  	_ =	shalt  }
0x62: {  	_ =	shalt  }
0x63: {  	_ =	shalt  }
0x64: {  	_ =	shalt  }
0x65: {  	_ =	shalt  }
0x66: {  	_ =	shalt  }
0x67: {  	_ =	shalt  }
0x68: {  	_ =	shalt  }
0x69: {  	_ =	shalt  }
0x6a: {  	_ =	shalt  }
0x6b: {  	_ =	shalt  }
0x6c: {  	_ =	shalt  }
0x6d: {  	_ =	shalt  }
0x6e: {  	_ =	shalt  }
0x6f: {  	_ =	shalt  }
0x70: {  	_ =	shalt  }
0x71: {  	_ =	shalt  }
0x72: {  	_ =	shalt  }
0x73: {  	_ =	shalt  }
0x74: {  	_ =	shalt  }
0x75: {  	_ =	shalt  }
0x76: {  	_ =	shalt  }
0x77: {  	_ =	shalt  }
0x78: {  	_ =	shalt  }
0x79: {  	_ =	shalt  }
0x7a: {  	_ =	shalt  }
0x7b: {  	_ =	shalt  }
0x7c: {  	_ =	shalt  }
0x7d: {  	_ =	shalt  }
0x7e: {  	_ =	shalt  }
0x7f: {  	_ =	shalt  }
0x80: {  	_ =	shalt  }
0x81: {  	_ =	shalt  }
0x82: {  	_ =	shalt  }
0x83: {  	_ =	shalt  }
0x84: {  	_ =	shalt  }
0x85: {  	_ =	shalt  }
0x86: {  	_ =	shalt  }
0x87: {  	_ =	shalt  }
.Lfunc_end0:
.L_simem_size_0:
called_computation_lowered:
.L_overlay_start_0:
0x88: {  	s2 =	sld [smem:$0x3FD9]  }
0x89: {  	s3 =	sld [smem:$0x3FFE];
	_ =	sdelay $0x1  }
0x8a: {  	s1 =	srdreg.scid  }
0x8b: {  	s0 =	sand.u32 $0x1, s1  }
0x8c: {  	s17 =	sshll.u32 s0, $0xA;
	s2 =	sadd.s32 s3, s2  }
0x8d: {  	s2 =	sadd.s32 s2, s17  }
0x8e: {  	[smem:$0x3FBA] =	sst s2  }
0x8f: {  	_ = 	snop  }
0x90: {  	s2 =	sld [smem:$0x3FC8]  }
0x91: {  	s18 =	sld [smem:$0x3FD0];
	(tm) =	ssettm $0x1  }
0x92: {  	s4 =	sld [smem:$0x3FFB];
	_ =	sdelay $0x3  }
0x93: {  	_ =	strace s4  }
0x94: {  	s4 =	sld [smem:$0x3FFC];
	_ =	sdelay $0x3  }
0x95: {  	_ =	strace s4  }
0x96: {  	s4 =	sld [smem:$0x3FFD];
	_ =	sdelay $0x3  }
0x97: {  	_ =	strace s4  }
0x98: {  	_ =	strace $0x8FFFFFFF  }
0x99: {  	s19 =	sld [smem:$0x3FDB];
	_ =	sdelay $0x1  }
0x9a: {  	s5 =	simm.s32 $_scs_section_size  }
0x9b: {  	s6 =	simm.s32 $_size__tile_overlayer_lowered;
	s7 =	simm.s32 $_tile_overlayer_lowered  }
0x9c: {  	s22 =	simm.s32 $0x1BFF;
	s21 =	sshll.u32 s7, $0x1;
	s4 =	sadd.s32 s5, s19  }
0x9d: {  	s8 =	simm.s32 $0x0;
	s20 =	sshll.u32 s6, $0x1;
	s6 =	sadd.s32 s21, s4  }
0x9e: {  	[timem:s8], [sflag:s22] =	dma.local [hbm:s6], s20  }
0x9f: {  	_ =	swait.ge [sflag:s22], s20  }
0xa0: {  	s5 =	ssub.s32 $0x0, s20;
	[sflag:s22] =	ssyncset.done $0x0  }
0xa1: {  	[sflag:s22] =	ssyncadd.s32 s5;
	_ =	sdelay $0x1  }
0xa2: {  	s23 =	simm.s32 $0x1B8B  }
0xa3: {  	_ =	swait.ge [sflag:s23], $0x1  }
0xa4: {  	[sflag:s23] =	ssyncset.done $0x0  }
0xa5: {  	s25 =	simm.s32 $0x1B8E;
	s24 =	sld [smem:$0x3FFE];
	[sflag:s23] =	ssyncadd.s32 $0xFFFFFFFF  }
0xa6: {  	s26 =	simm.s32 $execute0_lowered;
	[smem:$0x3FD2] =	sst s25  }
0xa7: {  	s6 =	sshll.u32 s26, $0x1;
	_ =	strace $0x80000046;
	[dreg:$0x1] =	wrdreg $0xFFFFFFFF  }
0xa8: {  	s28 =	simm.s32 $_size_execute0_lowered;
	s4 =	sadd.s32 s4, s6;
	[dreg:$0x0] =	wrdreg $0x0  }
0xa9: {  	s6 =	sshll.u32 s28, $0x1;
	[dreg:$0x2] =	wrdreg s4  }
0xaa: {  	[dreg:$0x3] =	wrdreg s6  }
0xab: {  	[dreg:$0x4] =	wrdreg $0xC0  }
0xac: {  	_ =	task [dreg:s8], $0x5FFFF  }
0xad: {  	[dreg:$0x1] =	wrdreg $0xFFFFFFFF  }
0xae: {  	[dreg:$0x0] =	wrdreg $0x60  }
0xaf: {  	[dreg:$0x2] =	wrdreg s2  }
0xb0: {  	[dreg:$0x3] =	wrdreg s18  }
0xb1: {  	[dreg:$0x4] =	wrdreg s24  }
0xb2: {  	[dreg:$0x5] =	wrdreg $0x9  }
0xb3: {  	_ =	task.clear_ibuf [dreg:s8], $0x6FFFF;
	_ =	strace $0x90000046  }
0xb4: {  	s29 =	simm.s32 $0x9;
	_ =	strace $0x80000048  }
0xb5: {  	_ =	swait.ge [sflag:s29], $0x1  }
0xb6: {  	[sflag:s29] =	ssyncadd.s32 $0xFFFFFFFF  }
0xb7: {  	_ =	strace $0x90000048  }
0xb8: {  	_ =	sfence  }
0xb9: {  	s30 =	sld [smem:$0x0];
	_ =	sdelay $0x2  }
0xba: {  	s31 =	sshll.u32 s1, $0xD;
	s1 =	sshrl.u32 s1, $0x2  }
0xbb: {  	s3 =	sand.u32 $0x4000, s31;
	s1 =	sadd.s32 s1, s30  }
0xbc: {  	s0 =	sor.u32 s3, s0;
	s1 =	sshll.u32 s1, $0x11  }
0xbd: {  	s0 =	sor.u32 s1, s0  }
0xbe: {  	s0 =	sadd.s32 $0x8F2B, s0  }
0xbf: {  	[sflag:s0] =	ssyncadd.remote.s32 $0x1  }
0xc0: {  	_ =	sfence.sel $0xFFFF  }
0xc1: {  	[dreg:$0x0] =	wrdreg $0xFFFFFFFF;
	(pc) =	sbr.abs _section_cstart, $3  }
0xc2: {  	[dreg:$0x1] =	wrdreg $0xFFFFFFFF  }
0xc3: {  	_ =	task.clear_ibuf [dreg:s8], $0x2FFFF;
	_ =	strace $0x9FFFFFFF  }
0xc4: {  	(tm) =	ssettm $0x7FFFFFFF  }
0xc5: {  	_ =	shalt  }
tec
execute0_lowered:
.L_overlay_start_1:
0x0: {  	(tag) =	ssettag $0x1  }
0x1: {  	s2 =	rddreg [dreg:$0x0]  }
0x2: {  	s1 =	srdreg.scid;
	s3 =	rddreg [dreg:$0x1]  }
0x3: {  	s0 =	stileid.u32;
	s5 =	rddreg [dreg:$0x2]  }
0x4: {  	s9 =	simm.s32 $0x1;
	s10 =	simm.s32 $0x3;
	s1 =	sshll.u32 s1, $0xA  }
0x5: {  	s13 =	simm.s32 $0x0;
	s4 =	sshll.u32 s0, $0xB;
	s6 =	sand.u32 $0x400, s1  }
0x6: {  	s12 =	simm.s32 $0x0;
	s5 =	sadd.s32 $0x104C00, s5;
	s4 =	sor.u32 s4, s6  }
0x7: {  	s1 =	rddreg [dreg:$0x3];
	_ =	strace $0x80000047;
	s8 =	ssub.s32 $0x10000, s4  }
.Ltmp0:
0x8: {  	s6 =	simm.s32 $0x1;
	s7 =	sand.u32 $0x7C00, s8;
	(pc) =	sbr.rel .LBB2_1-.Ltmp0, $4  }
0x9: {  	[sflag:s6] =	ssyncpa.u1 $0x0;
	s11 =	smov.u32 s4;
	p0 =	sne.s32 s7, $0x0  }
0xa: {  	s8 =	sshrl.u32 s8, $0xF;
	s7 =	simm.s32 $0x2;
	s9 =	simm.s32 @!p0 $0x0  }
0xb: {  	[sflag:s7] =	ssyncpa.u1 $0x0;
	p0 =	por $0x0, $0x0;
	s8 =	sadd.s32 s9, s8  }
0xc: {  	vm0 =	vmmov $0xffff;
	[sflag:s10] =	ssyncpa.u1 $0x0;
	s10 =	simm.s32 $0x0;
	s9 =	sadd.s32 $0x1, s8  }
.LBB2_4:
0xd: {  	v2 =	vnsel vm1, $0x0, v2  }
0xe: {  	vm1 =	vgt.s32 v0, $0x0;
	v2 =	vmin.u32 v2, $0xFFFF  }
0xf: {  	v0 =	vnsel vm1, $0x0, v0  }
0x10: {  	v0 =	vmin.u32 v0, $0xFFFF  }
0x11: {  	[tilespmem:s15], [sflag:$0x1] =	stream.indirect_vreg.gather [hbm4b:s2+s10], $0x1, v1, vm0, $0x4038;
	[tilespmem:$0x1000] =	vst v63  }
0x12: {  	(ifvalue) =	ssetifvalue $0x7FFFFFFF  }
0x13: {  	[tilespmem:s16], [sflag:$0x1] =	stream.indirect_vreg.gather [hbm4b:s2+s10], $0x1, v2, vm0, $0x4038;
	[tilespmem:$0x1000] =	vst v63  }
0x14: {  	s29 =	sadd.s32 $0x10, s16;
	(ifvalue) =	ssetifvalue $0x7FFFFFFF  }
0x15: {  	[tilespmem:s29], [sflag:$0x1] =	stream.indirect_vreg.gather [hbm4b:s2+s10], $0x1, v0, vm0, $0x4038;
	[tilespmem:$0x1000] =	vst v63  }
0x16: {  	_ =	swait.ge [sflag:s6], $0x400  }
0x17: {  	s30 =	sshrl.u32 s13, $0x3;
	[sflag:s6] =	ssyncset.done $0x0  }
0x18: {  	s31 =	sand.u32 $0x7, s13;
	s15 =	sadd.s32 s5, s30;
	[sflag:s6] =	ssyncadd.s32 $0xFFFFFC00  }
0x19: {  	[hbm4b:s15+s31] =	stream.linear.scatter [tilespmem:s14], [sflag:$0x3], $0x400, $0x38;
	[tilespmem:$0x1000] =	vst v63  }
.LBB2_5:
0x1a: {  	s15 =	sadd.s32 $0x8000, s11  }
0x1b: {  	p2 =	sgt.s32 s15, $0xFFFF  }
0x1c: {  	s15 =	smov.u32 @p2 s4;
	p2 =	sne.s32 s12, s9  }
.Ltmp1:
0x1d: {  	p1 =	slt.u32 s12, $0x2;
	(pc) =	sbr.rel @!p2 .LBB2_6-.Ltmp1, $4  }
0x1e: {  	s14 =	simm.s32 @!p1 $0x3  }
0x1f: {  	s16 =	sadd.s32 $0x1, s12;
	_ =	swait.ge @!p1 [sflag:s14], $0x400  }
0x20: {  	s13 =	smov.u32 s11;
	p0 =	por !p0, !p0;
	[sflag:s14] =	ssyncset.done @!p1 $0x0  }
0x21: {  	s12 =	smov.u32 s16;
	s11 =	smov.u32 s15;
	[sflag:s14] =	ssyncadd.s32 @!p1 $0xFFFFFC00  }
.LBB2_1:
0x22: {  	p1 =	sge.u32 s12, s8  }
0x23: {  	s14 =	sxor.u32 @!p1 $0xFFFFFFFF, s12  }
0x24: {  	s31 =	sadd.s32 $0xFFFFFFFF, s12;
	s15 =	sshrl.u32 @!p1 s11, $0x3;
	s14 =	sshll.u32 @!p1 s14, $0xA  }
0x25: {  	s16 =	sand.u32 @!p1 $0x7, s11;
	s15 =	sadd.s32 @!p1 s3, s15;
	s14 =	sand.u32 @!p1 $0x400, s14  }
0x26: {  	[tilespmem:s14], [sflag:$0x2] =	stream.linear.gather @!p1 [hbm4b:s15+s16], $0x400, $0x38;
	[tilespmem:$0x1000] =	vst v63  }
0x27: {  	p1 =	sge.u32 s31, s8  }
.Ltmp2:
0x28: {  	_ = 	snop;
	(pc) =	sbr.rel @p1 .LBB2_5-.Ltmp2, $1  }
0x29: {  	_ =	sdelay $0x3  }
0x2a: {  	s14 =	simm.s32 $0x1  }
0x2b: {  	_ =	swait.ge [sflag:s7], $0x400;
	s14 =	simm.s32 @!p0 $0x0  }
0x2c: {  	[sflag:s7] =	ssyncset.done $0x0;
	s14 =	sshll.u32 s14, $0xA  }
0x2d: {  	[sflag:s7] =	ssyncadd.s32 $0xFFFFFC00;
	(ifvalue) =	ssetifvalue $0x7FFFFFFF;
	v0 =	vld.msk [tilespmem:s14+$0x0 ss:$0x1], $0xffff;
	_ =	sdelay $0x4  }
0x2e: {  	s15 =	sadd.s32 $0x10, s14;
	vm1 =	vgt.s32 v0, $0x0  }
0x2f: {  	v2 =	vld.msk [tilespmem:s15+$0x0 ss:$0x1], $0xffff;
	v1 =	vnsel vm1, $0x0, v0  }
0x30: {  	v1 =	vmin.u32 v1, $0xFFFF;
	_ =	sdelay $0x1  }
0x31: {  	s16 =	sshll.u32 s12, $0xA;
	s18 =	simm.s32 $0x20  }
0x32: {  	s16 =	sand.u32 $0x400, s16;
	s17 =	sadd.s32 $0x10, s15;
	s15 =	sor.u32 $0x800, s14  }
0x33: {  	s14 =	sor.u32 $0x800, s16;
	s16 =	sadd.s32 $0x10, s15;
	v0 =	vld.msk [tilespmem:s17+$0x0 ss:$0x1], $0xffff;
	vm1 =	vgt.s32 v2, $0x0;
	(ifvalue) =	ssetifvalue $0x7FFFFFFF  }
.LBB2_3:
0x34: {  	[tilespmem:s15], [sflag:$0x1] =	stream.indirect_vreg.gather [hbm4b:s2+s10], $0x1, v1, vm0, $0x4038;
	[tilespmem:$0x1000] =	vst v63  }
0x35: {  	s18 =	sadd.s32 $0x10, s18  }
0x36: {  	v2 =	vnsel vm1, $0x0, v2;
	p1 =	slt.u32 s18, $0x3F0  }
.Ltmp3:
0x37: {  	s15 =	smov.u32 s16;
	v1 =	vmin.u32 v2, $0xFFFF;
	(pc) =	sbr.rel @p1 .LBB2_3-.Ltmp3, $3  }
0x38: {  	_ =	sdelay $0x1  }
0x39: {  	s17 =	sadd.s32 $0x10, s17  }
0x3a: {  	vm1 =	vgt.s32 v0, $0x0;
	s16 =	sadd.s32 $0x10, s16;
	v2 =	vmov v0;
	(ifvalue) =	ssetifvalue $0x7FFFFFFF;
	v0 =	vld.msk [tilespmem:s17+$0x0 ss:$0x1], $0xffff  }
.Ltmp4:
0x3b: {  	_ = 	snop;
	(pc) =	sbr.rel .LBB2_4-.Ltmp4, $1  }
0x3c: {  	_ =	sdelay $0x3  }
.LBB2_6:
0x3d: {  	_ =	sfence.sel $0x180000  }
0x3e: {  	s2 =	simm.s32 $0x2;
	[bflag:$0x0] =	sbarrier.arrive $0xFFFF  }
0x3f: {  	s30 =	simm.s32 $0x3;
	[sflag:s2] =	ssyncpa.u1 $0x1  }
0x40: {  	s31 =	simm.s32 $0x1;
	[sflag:s30] =	ssyncpa.u1 $0x1  }
0x41: {  	[sflag:s31] =	ssyncpa.u1 $0x1  }
0x42: {  	p0 =	sne.s32 s0, $0x0;
	_ =	strace $0x90000047  }
0x43: {  	s0 =	sadd.s32 @!p0 $0x100000, s1;
	[bflag:$0x2] =	sbarrier.arrive $0xFFFF  }
0x44: {  	[sflag:s0] =	ssyncadd.tile.s32 @!p0 $0x1;
	_ =	shalt  }
.Lfunc_end2:
_tile_overlayer_lowered:
.L_overlay_start_2:
0x45: {  	(tag) =	ssettag $0x2  }
0x46: {  	s0 =	rddreg [dreg:$0x0];
	s2 =	stileid.u32  }
0x47: {  	s1 =	rddreg [dreg:$0x1];
	p0 =	sne.s32 s2, $0x0  }
0x48: {  	s3 =	rddreg [dreg:$0x2];
	[bflag:$0x3] =	sbarrier.arrive $0xFFFF;
	s2 =	simm.s32 @!p0 $0x1C01  }
0x49: {  	[timem:s3], [sflag:s2] =	dma.local @!p0 [hbm:s0], s1  }
0x4a: {  	s0 =	simm.s32 @!p0 $0x1  }
0x4b: {  	_ =	swait.ge @!p0 [sflag:s0], s1  }
0x4c: {  	s1 =	ssub.s32 @!p0 $0x0, s1;
	[sflag:s0] =	ssyncset.done @!p0 $0x0  }
0x4d: {  	[sflag:s0] =	ssyncadd.s32 @!p0 s1  }
0x4e: {  	[bflag:$0x3] =	sbarrier.arrive $0xFFFF  }
0x4f: {  	_ =	shalt  }

</sc_bundles>
